<compile_context>
chip_gen: v7x
topology: tpu7x:2x2x1
jax: 0.10.2.dev20260603
libtpu: 0.0.44.dev20260713+nightly
codegen_flags: <defaults>
</compile_context>

<pallas_src>
import jax
import jax.numpy as jnp
from jax.experimental import pallas as pl

NUM_BANDS = 64
MAP_FREQ = 200
NSPLIT = 4

_SIN_C = (3.1415927, -5.167711, 2.550092, -0.5983952, 0.07788843)
_COS_C = (0.99999994, -4.934795, 4.058461, -1.3322372, 0.22049049)


def _sincospi(t):
    n = jnp.round(t)
    r = t - n
    sgn = jax.lax.shift_left(n.astype(jnp.int32), 31)
    s = r * r
    sp = _SIN_C[4]
    cp = _COS_C[4]
    for i in (3, 2, 1, 0):
        sp = sp * s + _SIN_C[i]
        cp = cp * s + _COS_C[i]
    sp = sp * r
    sin_v = jax.lax.bitcast_convert_type(
        jax.lax.bitcast_convert_type(sp, jnp.int32) ^ sgn, jnp.float32
    )
    cos_v = jax.lax.bitcast_convert_type(
        jax.lax.bitcast_convert_type(cp, jnp.int32) ^ sgn, jnp.float32
    )
    return sin_v, cos_v


def _enc_kernel(*refs):
    x_refs = refs[:NSPLIT]
    f_ref = refs[NSPLIT]
    out_refs = refs[NSPLIT + 1 :]
    f = f_ref[0]
    for x_ref, out_ref in zip(x_refs, out_refs):
        xb = x_ref[0]
        x0 = xb[:, 0:1]
        x1 = xb[:, 1:2]
        x2 = xb[:, 2:3]
        lane = jax.lax.broadcasted_iota(
            jnp.int32, (xb.shape[0], 2 * NUM_BANDS), 1
        )
        x01 = jnp.where(lane < NUM_BANDS, x0, x1)
        t = x01 * f
        sin_v, cos_v = _sincospi(t)
        out_ref[0, : xb.shape[0], 0 : 2 * NUM_BANDS] = sin_v
        out_ref[0, : xb.shape[0], 2 * NUM_BANDS : 4 * NUM_BANDS] = cos_v
        out_ref[0, : xb.shape[0], 4 * NUM_BANDS : 4 * NUM_BANDS + 1] = x2
        out_ref[0, xb.shape[0] :, :] = jnp.zeros(
            (out_ref.shape[1] - xb.shape[0], out_ref.shape[2]), out_ref.dtype
        )


def kernel(x, pad_mask):
    B, N, _ = x.shape
    C = 4 * NUM_BANDS + 1
    BS = B // NSPLIT
    freqs = jnp.linspace(1.0, MAP_FREQ / 2.0, NUM_BANDS, dtype=jnp.float32)
    f2 = jnp.concatenate([freqs, freqs]).reshape(1, 2 * NUM_BANDS)

    def x_spec(k):
        return pl.BlockSpec((1, N, 3), lambda b, k=k: (k * BS + b, 0, 0))

    slabs = pl.pallas_call(
        _enc_kernel,
        grid=(BS,),
        in_specs=[x_spec(k) for k in range(NSPLIT)]
        + [pl.BlockSpec((1, 2 * NUM_BANDS), lambda b: (0, 0))],
        out_specs=[
            pl.BlockSpec((1, N + 1, C), lambda b: (b, 0, 0))
            for _ in range(NSPLIT)
        ],
        out_shape=[
            jax.ShapeDtypeStruct((BS, N + 1, C), x.dtype)
            for _ in range(NSPLIT)
        ],
    )(*([x] * NSPLIT), f2)

    enc = jnp.concatenate(slabs, axis=0)
    out_mask = jnp.concatenate(
        [pad_mask, jnp.zeros((B, 1), dtype=pad_mask.dtype)], axis=1
    )
    return (enc, out_mask)

# --- scband reference (transcript-rebuilt; emitter-appended) ---
"""Pipeline reference for scband-signal-ia-86844238725844 (READ-ONLY COPY).

The authoritative reference and input builder live on the scoring server;
editing this copy changes nothing except your own understanding.
"""

import math
import jax, jax.numpy as jnp
import numpy as np

NUM_FREQUENCY_BANDS = 64
MAP_FREQ = 200

def _sample_frequency_band(p, num_frequency_bands, max_frequencies, include_positions=True):
    frequencies = [jnp.linspace(1.0, max_freq / 2.0, num_frequency_bands) for max_freq in max_frequencies]
    frequency_grids = []
    for i, frequencies_i in enumerate(frequencies):
        frequency_grids.append(p[..., i:i + 1] * frequencies_i[None, ...])
    encodings = [p] if include_positions else []
    encodings.extend([jnp.sin(math.pi * g) for g in frequency_grids])
    encodings.extend([jnp.cos(math.pi * g) for g in frequency_grids])
    return jnp.concatenate(encodings, axis=-1)

def setup_inputs(seed: int = 0) -> dict:
    key = jax.random.key(seed)
    k1, _ = jax.random.split(key)
    x = jax.random.normal(k1, (256, 1024, 3), dtype=jnp.float32)
    pad_mask = jnp.zeros((256, 1024), dtype=bool)
    return {"x": x, "pad_mask": pad_mask}

def reference(x, pad_mask):
    # InputMode.FPOS, ClassMode.SCALAR (int_cls=True)
    enc_x = _sample_frequency_band(x, num_frequency_bands=NUM_FREQUENCY_BANDS,
                                   max_frequencies=(MAP_FREQ, MAP_FREQ),
                                   include_positions=False)
    enc_x = jnp.concatenate([enc_x, x[..., -1:]], axis=-1)
    if pad_mask is not None:
        enc_x = jnp.concatenate([enc_x, jnp.zeros_like(enc_x[:, :1, :])], axis=1)
        pad_mask = jnp.concatenate([pad_mask, jnp.zeros_like(pad_mask[:, :1])], axis=1)
    return (enc_x, pad_mask)

if __name__ == "__main__":
    import jax
    _d = setup_inputs()
    print(jax.jit(kernel)(*tuple(_d.values())))

</pallas_src>

<mosaic_0001>
module attributes {stable_mosaic.version = 14 : i64} {
  func.func @_enc_kernel(%arg0: i32, %arg1: memref<1x1024x3xf32, #tpu.memory_space<vmem>>, %arg2: memref<1x1024x3xf32, #tpu.memory_space<vmem>>, %arg3: memref<1x1024x3xf32, #tpu.memory_space<vmem>>, %arg4: memref<1x1024x3xf32, #tpu.memory_space<vmem>>, %arg5: memref<1x128xf32, #tpu.memory_space<vmem>>, %arg6: memref<1x1025x257xf32, #tpu.memory_space<vmem>>, %arg7: memref<1x1025x257xf32, #tpu.memory_space<vmem>>, %arg8: memref<1x1025x257xf32, #tpu.memory_space<vmem>>, %arg9: memref<1x1025x257xf32, #tpu.memory_space<vmem>>) attributes {dimension_semantics = [#tpu.dimension_semantics<arbitrary>], iteration_bounds = array<i64: 64>, scalar_prefetch = 0 : i64, scratch_operands = 0 : i64, tpu.core_type = #tpu.core_type<tc>, window_params = [{transform_indices = @transform_0, window_bounds = array<i64: 1, 1024, 3>}, {transform_indices = @transform_1, window_bounds = array<i64: 1, 1024, 3>}, {transform_indices = @transform_2, window_bounds = array<i64: 1, 1024, 3>}, {transform_indices = @transform_3, window_bounds = array<i64: 1, 1024, 3>}, {pipeline_mode = #tpu.pipeline_mode<synchronous>, transform_indices = @transform_4, window_bounds = array<i64: 1, 128>}, {transform_indices = @transform_5, window_bounds = array<i64: 1, 1025, 257>}, {transform_indices = @transform_6, window_bounds = array<i64: 1, 1025, 257>}, {transform_indices = @transform_7, window_bounds = array<i64: 1, 1025, 257>}, {transform_indices = @transform_8, window_bounds = array<i64: 1, 1025, 257>}]} {
    %get3A = arith.constant 0 : index
    %get3A_0 = arith.constant 0 : index
    %get3A_1 = vector.load %arg5[%get3A, %get3A_0] : memref<1x128xf32, #tpu.memory_space<vmem>>, vector<1x128xf32>
    %get3A_2 = vector.shape_cast %get3A_1 : vector<1x128xf32> to vector<128xf32>
    %get3A_3 = arith.constant 0 : index
    %get3A_4 = arith.constant 0 : index
    %get3A_5 = arith.constant 0 : index
    %get3A_6 = vector.load %arg1[%get3A_3, %get3A_4, %get3A_5] : memref<1x1024x3xf32, #tpu.memory_space<vmem>>, vector<1x1024x3xf32>
    %get3A_7 = vector.shape_cast %get3A_6 : vector<1x1024x3xf32> to vector<1024x3xf32>
    %slice3A = vector.extract_strided_slice %get3A_7 {offsets = [0, 0], sizes = [1024, 1], strides = [1, 1]} : vector<1024x3xf32> to vector<1024x1xf32>
    %slice3A_8 = vector.extract_strided_slice %get3A_7 {offsets = [0, 1], sizes = [1024, 1], strides = [1, 1]} : vector<1024x3xf32> to vector<1024x1xf32>
    %slice3A_9 = vector.extract_strided_slice %get3A_7 {offsets = [0, 2], sizes = [1024, 1], strides = [1, 1]} : vector<1024x3xf32> to vector<1024x1xf32>
    %iota3A = tpu.iota {dimensions = array<i32: 1>} : vector<1024x128xi32>
    %lt3A = arith.constant 64 : i32
    %lt3A_10 = vector.broadcast %lt3A : i32 to vector<1024x128xi32>
    %lt3A_11 = arith.cmpi slt, %iota3A, %lt3A_10 : vector<1024x128xi32>
    %broadcast_in_dim3A = vector.shape_cast %slice3A : vector<1024x1xf32> to vector<1024x1xf32>
    %broadcast_in_dim3A_12 = vector.broadcast %broadcast_in_dim3A : vector<1024x1xf32> to vector<1024x128xf32>
    %broadcast_in_dim3A_13 = vector.shape_cast %slice3A_8 : vector<1024x1xf32> to vector<1024x1xf32>
    %broadcast_in_dim3A_14 = vector.broadcast %broadcast_in_dim3A_13 : vector<1024x1xf32> to vector<1024x128xf32>
    %select_n3A = arith.select %lt3A_11, %broadcast_in_dim3A_12, %broadcast_in_dim3A_14 : vector<1024x128xi1>, vector<1024x128xf32>
    %broadcast_in_dim3A_15 = vector.shape_cast %get3A_2 : vector<128xf32> to vector<1x128xf32>
    %mul3A = vector.broadcast %broadcast_in_dim3A_15 : vector<1x128xf32> to vector<1024x128xf32>
    %mul3A_16 = arith.mulf %select_n3A, %mul3A : vector<1024x128xf32>
    %round3A = math.roundeven %mul3A_16 : vector<1024x128xf32>
    %sub3A = arith.subf %mul3A_16, %round3A : vector<1024x128xf32>
    %convert_element_type3A = arith.fptosi %round3A : vector<1024x128xf32> to vector<1024x128xi32>
    %shift_left3A = arith.constant 31 : i32
    %shift_left3A_17 = vector.broadcast %shift_left3A : i32 to vector<1024x128xi32>
    %shift_left3A_18 = arith.shli %convert_element_type3A, %shift_left3A_17 : vector<1024x128xi32>
    %mul3A_19 = arith.mulf %sub3A, %sub3A : vector<1024x128xf32>
    %mul3A_20 = arith.constant 0.0778884291 : f32
    %mul3A_21 = vector.broadcast %mul3A_20 : f32 to vector<1024x128xf32>
    %mul3A_22 = arith.mulf %mul3A_21, %mul3A_19 : vector<1024x128xf32>
    %add3A = arith.constant -0.598395228 : f32
    %add3A_23 = vector.broadcast %add3A : f32 to vector<1024x128xf32>
    %add3A_24 = arith.addf %mul3A_22, %add3A_23 : vector<1024x128xf32>
    %mul3A_25 = arith.constant 0.220490485 : f32
    %mul3A_26 = vector.broadcast %mul3A_25 : f32 to vector<1024x128xf32>
    %mul3A_27 = arith.mulf %mul3A_26, %mul3A_19 : vector<1024x128xf32>
    %add3A_28 = arith.constant -1.33223724 : f32
    %add3A_29 = vector.broadcast %add3A_28 : f32 to vector<1024x128xf32>
    %add3A_30 = arith.addf %mul3A_27, %add3A_29 : vector<1024x128xf32>
    %mul3A_31 = arith.mulf %add3A_24, %mul3A_19 : vector<1024x128xf32>
    %add3A_32 = arith.constant 2.55009198 : f32
    %add3A_33 = vector.broadcast %add3A_32 : f32 to vector<1024x128xf32>
    %add3A_34 = arith.addf %mul3A_31, %add3A_33 : vector<1024x128xf32>
    %mul3A_35 = arith.mulf %add3A_30, %mul3A_19 : vector<1024x128xf32>
    %add3A_36 = arith.constant 4.05846119 : f32
    %add3A_37 = vector.broadcast %add3A_36 : f32 to vector<1024x128xf32>
    %add3A_38 = arith.addf %mul3A_35, %add3A_37 : vector<1024x128xf32>
    %mul3A_39 = arith.mulf %add3A_34, %mul3A_19 : vector<1024x128xf32>
    %add3A_40 = arith.constant -5.16771078 : f32
    %add3A_41 = vector.broadcast %add3A_40 : f32 to vector<1024x128xf32>
    %add3A_42 = arith.addf %mul3A_39, %add3A_41 : vector<1024x128xf32>
    %mul3A_43 = arith.mulf %add3A_38, %mul3A_19 : vector<1024x128xf32>
    %add3A_44 = arith.constant -4.9347949 : f32
    %add3A_45 = vector.broadcast %add3A_44 : f32 to vector<1024x128xf32>
    %add3A_46 = arith.addf %mul3A_43, %add3A_45 : vector<1024x128xf32>
    %mul3A_47 = arith.mulf %add3A_42, %mul3A_19 : vector<1024x128xf32>
    %add3A_48 = arith.constant 3.14159274 : f32
    %add3A_49 = vector.broadcast %add3A_48 : f32 to vector<1024x128xf32>
    %add3A_50 = arith.addf %mul3A_47, %add3A_49 : vector<1024x128xf32>
    %mul3A_51 = arith.mulf %add3A_46, %mul3A_19 : vector<1024x128xf32>
    %add3A_52 = arith.constant 0.99999994 : f32
    %add3A_53 = vector.broadcast %add3A_52 : f32 to vector<1024x128xf32>
    %add3A_54 = arith.addf %mul3A_51, %add3A_53 : vector<1024x128xf32>
    %mul3A_55 = arith.mulf %add3A_50, %sub3A : vector<1024x128xf32>
    %bitcast_convert_type3A = tpu.bitcast %mul3A_55 : vector<1024x128xf32> -> vector<1024x128xi32>
    %xor3A = arith.xori %bitcast_convert_type3A, %shift_left3A_18 : vector<1024x128xi32>
    %bitcast_convert_type3A_56 = tpu.bitcast %xor3A : vector<1024x128xi32> -> vector<1024x128xf32>
    %bitcast_convert_type3A_57 = tpu.bitcast %add3A_54 : vector<1024x128xf32> -> vector<1024x128xi32>
    %xor3A_58 = arith.xori %bitcast_convert_type3A_57, %shift_left3A_18 : vector<1024x128xi32>
    %bitcast_convert_type3A_59 = tpu.bitcast %xor3A_58 : vector<1024x128xi32> -> vector<1024x128xf32>
    %swap3A = arith.constant 0 : index
    %swap3A_60 = arith.constant 0 : index
    %swap3A_61 = arith.constant 0 : index
    %swap3A_62 = vector.load %arg6[%swap3A, %swap3A_60, %swap3A_61] : memref<1x1025x257xf32, #tpu.memory_space<vmem>>, vector<1x1024x128xf32>
    %swap3A_63 = vector.shape_cast %swap3A_62 : vector<1x1024x128xf32> to vector<1024x128xf32>
    %swap3A_64 = vector.shape_cast %bitcast_convert_type3A_56 : vector<1024x128xf32> to vector<1x1024x128xf32>
    tpu.vector_store %arg6[%swap3A, %swap3A_60, %swap3A_61], %swap3A_64 {strides = array<i32>} : memref<1x1025x257xf32, #tpu.memory_space<vmem>>, vector<1x1024x128xf32>,
    %swap3A_65 = arith.constant 0 : index
    %swap3A_66 = arith.constant 0 : index
    %swap3A_67 = arith.constant 128 : index
    %swap3A_68 = vector.load %arg6[%swap3A_65, %swap3A_66, %swap3A_67] : memref<1x1025x257xf32, #tpu.memory_space<vmem>>, vector<1x1024x128xf32>
    %swap3A_69 = vector.shape_cast %swap3A_68 : vector<1x1024x128xf32> to vector<1024x128xf32>
    %swap3A_70 = vector.shape_cast %bitcast_convert_type3A_59 : vector<1024x128xf32> to vector<1x1024x128xf32>
    tpu.vector_store %arg6[%swap3A_65, %swap3A_66, %swap3A_67], %swap3A_70 {strides = array<i32>} : memref<1x1025x257xf32, #tpu.memory_space<vmem>>, vector<1x1024x128xf32>,
    %swap3A_71 = arith.constant 0 : index
    %swap3A_72 = arith.constant 0 : index
    %swap3A_73 = arith.constant 256 : index
    %swap3A_74 = vector.load %arg6[%swap3A_71, %swap3A_72, %swap3A_73] : memref<1x1025x257xf32, #tpu.memory_space<vmem>>, vector<1x1024x1xf32>
    %swap3A_75 = vector.shape_cast %swap3A_74 : vector<1x1024x1xf32> to vector<1024x1xf32>
    %swap3A_76 = vector.shape_cast %slice3A_9 : vector<1024x1xf32> to vector<1x1024x1xf32>
    tpu.vector_store %arg6[%swap3A_71, %swap3A_72, %swap3A_73], %swap3A_76 {strides = array<i32>} : memref<1x1025x257xf32, #tpu.memory_space<vmem>>, vector<1x1024x1xf32>,
    %broadcast_in_dim3A_77 = arith.constant 0.000000e+00 : f32
    %broadcast_in_dim3A_78 = vector.broadcast %broadcast_in_dim3A_77 : f32 to vector<1x257xf32>
    %swap3A_79 = arith.constant 0 : index
    %swap3A_80 = arith.constant 1024 : index
    %swap3A_81 = arith.constant 0 : index
    %swap3A_82 = vector.load %arg6[%swap3A_79, %swap3A_80, %swap3A_81] : memref<1x1025x257xf32, #tpu.memory_space<vmem>>, vector<1x1x257xf32>
    %swap3A_83 = vector.shape_cast %swap3A_82 : vector<1x1x257xf32> to vector<1x257xf32>
    %swap3A_84 = vector.shape_cast %broadcast_in_dim3A_78 : vector<1x257xf32> to vector<1x1x257xf32>
    tpu.vector_store %arg6[%swap3A_79, %swap3A_80, %swap3A_81], %swap3A_84 {strides = array<i32>} : memref<1x1025x257xf32, #tpu.memory_space<vmem>>, vector<1x1x257xf32>,
    %get3A_85 = arith.constant 0 : index
    %get3A_86 = arith.constant 0 : index
    %get3A_87 = arith.constant 0 : index
    %get3A_88 = vector.load %arg2[%get3A_85, %get3A_86, %get3A_87] : memref<1x1024x3xf32, #tpu.memory_space<vmem>>, vector<1x1024x3xf32>
    %get3A_89 = vector.shape_cast %get3A_88 : vector<1x1024x3xf32> to vector<1024x3xf32>
    %slice3A_90 = vector.extract_strided_slice %get3A_89 {offsets = [0, 0], sizes = [1024, 1], strides = [1, 1]} : vector<1024x3xf32> to vector<1024x1xf32>
    %slice3A_91 = vector.extract_strided_slice %get3A_89 {offsets = [0, 1], sizes = [1024, 1], strides = [1, 1]} : vector<1024x3xf32> to vector<1024x1xf32>
    %slice3A_92 = vector.extract_strided_slice %get3A_89 {offsets = [0, 2], sizes = [1024, 1], strides = [1, 1]} : vector<1024x3xf32> to vector<1024x1xf32>
    %iota3A_93 = tpu.iota {dimensions = array<i32: 1>} : vector<1024x128xi32>
    %lt3A_94 = arith.constant 64 : i32
    %lt3A_95 = vector.broadcast %lt3A_94 : i32 to vector<1024x128xi32>
    %lt3A_96 = arith.cmpi slt, %iota3A_93, %lt3A_95 : vector<1024x128xi32>
    %broadcast_in_dim3A_97 = vector.shape_cast %slice3A_90 : vector<1024x1xf32> to vector<1024x1xf32>
    %broadcast_in_dim3A_98 = vector.broadcast %broadcast_in_dim3A_97 : vector<1024x1xf32> to vector<1024x128xf32>
    %broadcast_in_dim3A_99 = vector.shape_cast %slice3A_91 : vector<1024x1xf32> to vector<1024x1xf32>
    %broadcast_in_dim3A_100 = vector.broadcast %broadcast_in_dim3A_99 : vector<1024x1xf32> to vector<1024x128xf32>
    %select_n3A_101 = arith.select %lt3A_96, %broadcast_in_dim3A_98, %broadcast_in_dim3A_100 : vector<1024x128xi1>, vector<1024x128xf32>
    %broadcast_in_dim3A_102 = vector.shape_cast %get3A_2 : vector<128xf32> to vector<1x128xf32>
    %mul3A_103 = vector.broadcast %broadcast_in_dim3A_102 : vector<1x128xf32> to vector<1024x128xf32>
    %mul3A_104 = arith.mulf %select_n3A_101, %mul3A_103 : vector<1024x128xf32>
    %round3A_105 = math.roundeven %mul3A_104 : vector<1024x128xf32>
    %sub3A_106 = arith.subf %mul3A_104, %round3A_105 : vector<1024x128xf32>
    %convert_element_type3A_107 = arith.fptosi %round3A_105 : vector<1024x128xf32> to vector<1024x128xi32>
    %shift_left3A_108 = arith.constant 31 : i32
    %shift_left3A_109 = vector.broadcast %shift_left3A_108 : i32 to vector<1024x128xi32>
    %shift_left3A_110 = arith.shli %convert_element_type3A_107, %shift_left3A_109 : vector<1024x128xi32>
    %mul3A_111 = arith.mulf %sub3A_106, %sub3A_106 : vector<1024x128xf32>
    %mul3A_112 = arith.constant 0.0778884291 : f32
    %mul3A_113 = vector.broadcast %mul3A_112 : f32 to vector<1024x128xf32>
    %mul3A_114 = arith.mulf %mul3A_113, %mul3A_111 : vector<1024x128xf32>
    %add3A_115 = arith.constant -0.598395228 : f32
    %add3A_116 = vector.broadcast %add3A_115 : f32 to vector<1024x128xf32>
    %add3A_117 = arith.addf %mul3A_114, %add3A_116 : vector<1024x128xf32>
    %mul3A_118 = arith.constant 0.220490485 : f32
    %mul3A_119 = vector.broadcast %mul3A_118 : f32 to vector<1024x128xf32>
    %mul3A_120 = arith.mulf %mul3A_119, %mul3A_111 : vector<1024x128xf32>
    %add3A_121 = arith.constant -1.33223724 : f32
    %add3A_122 = vector.broadcast %add3A_121 : f32 to vector<1024x128xf32>
    %add3A_123 = arith.addf %mul3A_120, %add3A_122 : vector<1024x128xf32>
    %mul3A_124 = arith.mulf %add3A_117, %mul3A_111 : vector<1024x128xf32>
    %add3A_125 = arith.constant 2.55009198 : f32
    %add3A_126 = vector.broadcast %add3A_125 : f32 to vector<1024x128xf32>
    %add3A_127 = arith.addf %mul3A_124, %add3A_126 : vector<1024x128xf32>
    %mul3A_128 = arith.mulf %add3A_123, %mul3A_111 : vector<1024x128xf32>
    %add3A_129 = arith.constant 4.05846119 : f32
    %add3A_130 = vector.broadcast %add3A_129 : f32 to vector<1024x128xf32>
    %add3A_131 = arith.addf %mul3A_128, %add3A_130 : vector<1024x128xf32>
    %mul3A_132 = arith.mulf %add3A_127, %mul3A_111 : vector<1024x128xf32>
    %add3A_133 = arith.constant -5.16771078 : f32
    %add3A_134 = vector.broadcast %add3A_133 : f32 to vector<1024x128xf32>
    %add3A_135 = arith.addf %mul3A_132, %add3A_134 : vector<1024x128xf32>
    %mul3A_136 = arith.mulf %add3A_131, %mul3A_111 : vector<1024x128xf32>
    %add3A_137 = arith.constant -4.9347949 : f32
    %add3A_138 = vector.broadcast %add3A_137 : f32 to vector<1024x128xf32>
    %add3A_139 = arith.addf %mul3A_136, %add3A_138 : vector<1024x128xf32>
    %mul3A_140 = arith.mulf %add3A_135, %mul3A_111 : vector<1024x128xf32>
    %add3A_141 = arith.constant 3.14159274 : f32
    %add3A_142 = vector.broadcast %add3A_141 : f32 to vector<1024x128xf32>
    %add3A_143 = arith.addf %mul3A_140, %add3A_142 : vector<1024x128xf32>
    %mul3A_144 = arith.mulf %add3A_139, %mul3A_111 : vector<1024x128xf32>
    %add3A_145 = arith.constant 0.99999994 : f32
    %add3A_146 = vector.broadcast %add3A_145 : f32 to vector<1024x128xf32>
    %add3A_147 = arith.addf %mul3A_144, %add3A_146 : vector<1024x128xf32>
    %mul3A_148 = arith.mulf %add3A_143, %sub3A_106 : vector<1024x128xf32>
    %bitcast_convert_type3A_149 = tpu.bitcast %mul3A_148 : vector<1024x128xf32> -> vector<1024x128xi32>
    %xor3A_150 = arith.xori %bitcast_convert_type3A_149, %shift_left3A_110 : vector<1024x128xi32>
    %bitcast_convert_type3A_151 = tpu.bitcast %xor3A_150 : vector<1024x128xi32> -> vector<1024x128xf32>
    %bitcast_convert_type3A_152 = tpu.bitcast %add3A_147 : vector<1024x128xf32> -> vector<1024x128xi32>
    %xor3A_153 = arith.xori %bitcast_convert_type3A_152, %shift_left3A_110 : vector<1024x128xi32>
    %bitcast_convert_type3A_154 = tpu.bitcast %xor3A_153 : vector<1024x128xi32> -> vector<1024x128xf32>
    %swap3A_155 = arith.constant 0 : index
    %swap3A_156 = arith.constant 0 : index
    %swap3A_157 = arith.constant 0 : index
    %swap3A_158 = vector.load %arg7[%swap3A_155, %swap3A_156, %swap3A_157] : memref<1x1025x257xf32, #tpu.memory_space<vmem>>, vector<1x1024x128xf32>
    %swap3A_159 = vector.shape_cast %swap3A_158 : vector<1x1024x128xf32> to vector<1024x128xf32>
    %swap3A_160 = vector.shape_cast %bitcast_convert_type3A_151 : vector<1024x128xf32> to vector<1x1024x128xf32>
    tpu.vector_store %arg7[%swap3A_155, %swap3A_156, %swap3A_157], %swap3A_160 {strides = array<i32>} : memref<1x1025x257xf32, #tpu.memory_space<vmem>>, vector<1x1024x128xf32>,
    %swap3A_161 = arith.constant 0 : index
    %swap3A_162 = arith.constant 0 : index
    %swap3A_163 = arith.constant 128 : index
    %swap3A_164 = vector.load %arg7[%swap3A_161, %swap3A_162, %swap3A_163] : memref<1x1025x257xf32, #tpu.memory_space<vmem>>, vector<1x1024x128xf32>
    %swap3A_165 = vector.shape_cast %swap3A_164 : vector<1x1024x128xf32> to vector<1024x128xf32>
    %swap3A_166 = vector.shape_cast %bitcast_convert_type3A_154 : vector<1024x128xf32> to vector<1x1024x128xf32>
    tpu.vector_store %arg7[%swap3A_161, %swap3A_162, %swap3A_163], %swap3A_166 {strides = array<i32>} : memref<1x1025x257xf32, #tpu.memory_space<vmem>>, vector<1x1024x128xf32>,
    %swap3A_167 = arith.constant 0 : index
    %swap3A_168 = arith.constant 0 : index
    %swap3A_169 = arith.constant 256 : index
    %swap3A_170 = vector.load %arg7[%swap3A_167, %swap3A_168, %swap3A_169] : memref<1x1025x257xf32, #tpu.memory_space<vmem>>, vector<1x1024x1xf32>
    %swap3A_171 = vector.shape_cast %swap3A_170 : vector<1x1024x1xf32> to vector<1024x1xf32>
    %swap3A_172 = vector.shape_cast %slice3A_92 : vector<1024x1xf32> to vector<1x1024x1xf32>
    tpu.vector_store %arg7[%swap3A_167, %swap3A_168, %swap3A_169], %swap3A_172 {strides = array<i32>} : memref<1x1025x257xf32, #tpu.memory_space<vmem>>, vector<1x1024x1xf32>,
    %broadcast_in_dim3A_173 = arith.constant 0.000000e+00 : f32
    %broadcast_in_dim3A_174 = vector.broadcast %broadcast_in_dim3A_173 : f32 to vector<1x257xf32>
    %swap3A_175 = arith.constant 0 : index
    %swap3A_176 = arith.constant 1024 : index
    %swap3A_177 = arith.constant 0 : index
    %swap3A_178 = vector.load %arg7[%swap3A_175, %swap3A_176, %swap3A_177] : memref<1x1025x257xf32, #tpu.memory_space<vmem>>, vector<1x1x257xf32>
    %swap3A_179 = vector.shape_cast %swap3A_178 : vector<1x1x257xf32> to vector<1x257xf32>
    %swap3A_180 = vector.shape_cast %broadcast_in_dim3A_174 : vector<1x257xf32> to vector<1x1x257xf32>
    tpu.vector_store %arg7[%swap3A_175, %swap3A_176, %swap3A_177], %swap3A_180 {strides = array<i32>} : memref<1x1025x257xf32, #tpu.memory_space<vmem>>, vector<1x1x257xf32>,
    %get3A_181 = arith.constant 0 : index
    %get3A_182 = arith.constant 0 : index
    %get3A_183 = arith.constant 0 : index
    %get3A_184 = vector.load %arg3[%get3A_181, %get3A_182, %get3A_183] : memref<1x1024x3xf32, #tpu.memory_space<vmem>>, vector<1x1024x3xf32>
    %get3A_185 = vector.shape_cast %get3A_184 : vector<1x1024x3xf32> to vector<1024x3xf32>
    %slice3A_186 = vector.extract_strided_slice %get3A_185 {offsets = [0, 0], sizes = [1024, 1], strides = [1, 1]} : vector<1024x3xf32> to vector<1024x1xf32>
    %slice3A_187 = vector.extract_strided_slice %get3A_185 {offsets = [0, 1], sizes = [1024, 1], strides = [1, 1]} : vector<1024x3xf32> to vector<1024x1xf32>
    %slice3A_188 = vector.extract_strided_slice %get3A_185 {offsets = [0, 2], sizes = [1024, 1], strides = [1, 1]} : vector<1024x3xf32> to vector<1024x1xf32>
    %iota3A_189 = tpu.iota {dimensions = array<i32: 1>} : vector<1024x128xi32>
    %lt3A_190 = arith.constant 64 : i32
    %lt3A_191 = vector.broadcast %lt3A_190 : i32 to vector<1024x128xi32>
    %lt3A_192 = arith.cmpi slt, %iota3A_189, %lt3A_191 : vector<1024x128xi32>
    %broadcast_in_dim3A_193 = vector.shape_cast %slice3A_186 : vector<1024x1xf32> to vector<1024x1xf32>
    %broadcast_in_dim3A_194 = vector.broadcast %broadcast_in_dim3A_193 : vector<1024x1xf32> to vector<1024x128xf32>
    %broadcast_in_dim3A_195 = vector.shape_cast %slice3A_187 : vector<1024x1xf32> to vector<1024x1xf32>
    %broadcast_in_dim3A_196 = vector.broadcast %broadcast_in_dim3A_195 : vector<1024x1xf32> to vector<1024x128xf32>
    %select_n3A_197 = arith.select %lt3A_192, %broadcast_in_dim3A_194, %broadcast_in_dim3A_196 : vector<1024x128xi1>, vector<1024x128xf32>
    %broadcast_in_dim3A_198 = vector.shape_cast %get3A_2 : vector<128xf32> to vector<1x128xf32>
    %mul3A_199 = vector.broadcast %broadcast_in_dim3A_198 : vector<1x128xf32> to vector<1024x128xf32>
    %mul3A_200 = arith.mulf %select_n3A_197, %mul3A_199 : vector<1024x128xf32>
    %round3A_201 = math.roundeven %mul3A_200 : vector<1024x128xf32>
    %sub3A_202 = arith.subf %mul3A_200, %round3A_201 : vector<1024x128xf32>
    %convert_element_type3A_203 = arith.fptosi %round3A_201 : vector<1024x128xf32> to vector<1024x128xi32>
    %shift_left3A_204 = arith.constant 31 : i32
    %shift_left3A_205 = vector.broadcast %shift_left3A_204 : i32 to vector<1024x128xi32>
    %shift_left3A_206 = arith.shli %convert_element_type3A_203, %shift_left3A_205 : vector<1024x128xi32>
    %mul3A_207 = arith.mulf %sub3A_202, %sub3A_202 : vector<1024x128xf32>
    %mul3A_208 = arith.constant 0.0778884291 : f32
    %mul3A_209 = vector.broadcast %mul3A_208 : f32 to vector<1024x128xf32>
    %mul3A_210 = arith.mulf %mul3A_209, %mul3A_207 : vector<1024x128xf32>
    %add3A_211 = arith.constant -0.598395228 : f32
    %add3A_212 = vector.broadcast %add3A_211 : f32 to vector<1024x128xf32>
    %add3A_213 = arith.addf %mul3A_210, %add3A_212 : vector<1024x128xf32>
    %mul3A_214 = arith.constant 0.220490485 : f32
    %mul3A_215 = vector.broadcast %mul3A_214 : f32 to vector<1024x128xf32>
    %mul3A_216 = arith.mulf %mul3A_215, %mul3A_207 : vector<1024x128xf32>
    %add3A_217 = arith.constant -1.33223724 : f32
    %add3A_218 = vector.broadcast %add3A_217 : f32 to vector<1024x128xf32>
    %add3A_219 = arith.addf %mul3A_216, %add3A_218 : vector<1024x128xf32>
    %mul3A_220 = arith.mulf %add3A_213, %mul3A_207 : vector<1024x128xf32>
    %add3A_221 = arith.constant 2.55009198 : f32
    %add3A_222 = vector.broadcast %add3A_221 : f32 to vector<1024x128xf32>
    %add3A_223 = arith.addf %mul3A_220, %add3A_222 : vector<1024x128xf32>
    %mul3A_224 = arith.mulf %add3A_219, %mul3A_207 : vector<1024x128xf32>
    %add3A_225 = arith.constant 4.05846119 : f32
    %add3A_226 = vector.broadcast %add3A_225 : f32 to vector<1024x128xf32>
    %add3A_227 = arith.addf %mul3A_224, %add3A_226 : vector<1024x128xf32>
    %mul3A_228 = arith.mulf %add3A_223, %mul3A_207 : vector<1024x128xf32>
    %add3A_229 = arith.constant -5.16771078 : f32
    %add3A_230 = vector.broadcast %add3A_229 : f32 to vector<1024x128xf32>
    %add3A_231 = arith.addf %mul3A_228, %add3A_230 : vector<1024x128xf32>
    %mul3A_232 = arith.mulf %add3A_227, %mul3A_207 : vector<1024x128xf32>
    %add3A_233 = arith.constant -4.9347949 : f32
    %add3A_234 = vector.broadcast %add3A_233 : f32 to vector<1024x128xf32>
    %add3A_235 = arith.addf %mul3A_232, %add3A_234 : vector<1024x128xf32>
    %mul3A_236 = arith.mulf %add3A_231, %mul3A_207 : vector<1024x128xf32>
    %add3A_237 = arith.constant 3.14159274 : f32
    %add3A_238 = vector.broadcast %add3A_237 : f32 to vector<1024x128xf32>
    %add3A_239 = arith.addf %mul3A_236, %add3A_238 : vector<1024x128xf32>
    %mul3A_240 = arith.mulf %add3A_235, %mul3A_207 : vector<1024x128xf32>
    %add3A_241 = arith.constant 0.99999994 : f32
    %add3A_242 = vector.broadcast %add3A_241 : f32 to vector<1024x128xf32>
    %add3A_243 = arith.addf %mul3A_240, %add3A_242 : vector<1024x128xf32>
    %mul3A_244 = arith.mulf %add3A_239, %sub3A_202 : vector<1024x128xf32>
    %bitcast_convert_type3A_245 = tpu.bitcast %mul3A_244 : vector<1024x128xf32> -> vector<1024x128xi32>
    %xor3A_246 = arith.xori %bitcast_convert_type3A_245, %shift_left3A_206 : vector<1024x128xi32>
    %bitcast_convert_type3A_247 = tpu.bitcast %xor3A_246 : vector<1024x128xi32> -> vector<1024x128xf32>
    %bitcast_convert_type3A_248 = tpu.bitcast %add3A_243 : vector<1024x128xf32> -> vector<1024x128xi32>
    %xor3A_249 = arith.xori %bitcast_convert_type3A_248, %shift_left3A_206 : vector<1024x128xi32>
    %bitcast_convert_type3A_250 = tpu.bitcast %xor3A_249 : vector<1024x128xi32> -> vector<1024x128xf32>
    %swap3A_251 = arith.constant 0 : index
    %swap3A_252 = arith.constant 0 : index
    %swap3A_253 = arith.constant 0 : index
    %swap3A_254 = vector.load %arg8[%swap3A_251, %swap3A_252, %swap3A_253] : memref<1x1025x257xf32, #tpu.memory_space<vmem>>, vector<1x1024x128xf32>
    %swap3A_255 = vector.shape_cast %swap3A_254 : vector<1x1024x128xf32> to vector<1024x128xf32>
    %swap3A_256 = vector.shape_cast %bitcast_convert_type3A_247 : vector<1024x128xf32> to vector<1x1024x128xf32>
    tpu.vector_store %arg8[%swap3A_251, %swap3A_252, %swap3A_253], %swap3A_256 {strides = array<i32>} : memref<1x1025x257xf32, #tpu.memory_space<vmem>>, vector<1x1024x128xf32>,
    %swap3A_257 = arith.constant 0 : index
    %swap3A_258 = arith.constant 0 : index
    %swap3A_259 = arith.constant 128 : index
    %swap3A_260 = vector.load %arg8[%swap3A_257, %swap3A_258, %swap3A_259] : memref<1x1025x257xf32, #tpu.memory_space<vmem>>, vector<1x1024x128xf32>
    %swap3A_261 = vector.shape_cast %swap3A_260 : vector<1x1024x128xf32> to vector<1024x128xf32>
    %swap3A_262 = vector.shape_cast %bitcast_convert_type3A_250 : vector<1024x128xf32> to vector<1x1024x128xf32>
    tpu.vector_store %arg8[%swap3A_257, %swap3A_258, %swap3A_259], %swap3A_262 {strides = array<i32>} : memref<1x1025x257xf32, #tpu.memory_space<vmem>>, vector<1x1024x128xf32>,
    %swap3A_263 = arith.constant 0 : index
    %swap3A_264 = arith.constant 0 : index
    %swap3A_265 = arith.constant 256 : index
    %swap3A_266 = vector.load %arg8[%swap3A_263, %swap3A_264, %swap3A_265] : memref<1x1025x257xf32, #tpu.memory_space<vmem>>, vector<1x1024x1xf32>
    %swap3A_267 = vector.shape_cast %swap3A_266 : vector<1x1024x1xf32> to vector<1024x1xf32>
    %swap3A_268 = vector.shape_cast %slice3A_188 : vector<1024x1xf32> to vector<1x1024x1xf32>
    tpu.vector_store %arg8[%swap3A_263, %swap3A_264, %swap3A_265], %swap3A_268 {strides = array<i32>} : memref<1x1025x257xf32, #tpu.memory_space<vmem>>, vector<1x1024x1xf32>,
    %broadcast_in_dim3A_269 = arith.constant 0.000000e+00 : f32
    %broadcast_in_dim3A_270 = vector.broadcast %broadcast_in_dim3A_269 : f32 to vector<1x257xf32>
    %swap3A_271 = arith.constant 0 : index
    %swap3A_272 = arith.constant 1024 : index
    %swap3A_273 = arith.constant 0 : index
    %swap3A_274 = vector.load %arg8[%swap3A_271, %swap3A_272, %swap3A_273] : memref<1x1025x257xf32, #tpu.memory_space<vmem>>, vector<1x1x257xf32>
    %swap3A_275 = vector.shape_cast %swap3A_274 : vector<1x1x257xf32> to vector<1x257xf32>
    %swap3A_276 = vector.shape_cast %broadcast_in_dim3A_270 : vector<1x257xf32> to vector<1x1x257xf32>
    tpu.vector_store %arg8[%swap3A_271, %swap3A_272, %swap3A_273], %swap3A_276 {strides = array<i32>} : memref<1x1025x257xf32, #tpu.memory_space<vmem>>, vector<1x1x257xf32>,
    %get3A_277 = arith.constant 0 : index
    %get3A_278 = arith.constant 0 : index
    %get3A_279 = arith.constant 0 : index
    %get3A_280 = vector.load %arg4[%get3A_277, %get3A_278, %get3A_279] : memref<1x1024x3xf32, #tpu.memory_space<vmem>>, vector<1x1024x3xf32>
    %get3A_281 = vector.shape_cast %get3A_280 : vector<1x1024x3xf32> to vector<1024x3xf32>
    %slice3A_282 = vector.extract_strided_slice %get3A_281 {offsets = [0, 0], sizes = [1024, 1], strides = [1, 1]} : vector<1024x3xf32> to vector<1024x1xf32>
    %slice3A_283 = vector.extract_strided_slice %get3A_281 {offsets = [0, 1], sizes = [1024, 1], strides = [1, 1]} : vector<1024x3xf32> to vector<1024x1xf32>
    %slice3A_284 = vector.extract_strided_slice %get3A_281 {offsets = [0, 2], sizes = [1024, 1], strides = [1, 1]} : vector<1024x3xf32> to vector<1024x1xf32>
    %iota3A_285 = tpu.iota {dimensions = array<i32: 1>} : vector<1024x128xi32>
    %lt3A_286 = arith.constant 64 : i32
    %lt3A_287 = vector.broadcast %lt3A_286 : i32 to vector<1024x128xi32>
    %lt3A_288 = arith.cmpi slt, %iota3A_285, %lt3A_287 : vector<1024x128xi32>
    %broadcast_in_dim3A_289 = vector.shape_cast %slice3A_282 : vector<1024x1xf32> to vector<1024x1xf32>
    %broadcast_in_dim3A_290 = vector.broadcast %broadcast_in_dim3A_289 : vector<1024x1xf32> to vector<1024x128xf32>
    %broadcast_in_dim3A_291 = vector.shape_cast %slice3A_283 : vector<1024x1xf32> to vector<1024x1xf32>
    %broadcast_in_dim3A_292 = vector.broadcast %broadcast_in_dim3A_291 : vector<1024x1xf32> to vector<1024x128xf32>
    %select_n3A_293 = arith.select %lt3A_288, %broadcast_in_dim3A_290, %broadcast_in_dim3A_292 : vector<1024x128xi1>, vector<1024x128xf32>
    %broadcast_in_dim3A_294 = vector.shape_cast %get3A_2 : vector<128xf32> to vector<1x128xf32>
    %mul3A_295 = vector.broadcast %broadcast_in_dim3A_294 : vector<1x128xf32> to vector<1024x128xf32>
    %mul3A_296 = arith.mulf %select_n3A_293, %mul3A_295 : vector<1024x128xf32>
    %round3A_297 = math.roundeven %mul3A_296 : vector<1024x128xf32>
    %sub3A_298 = arith.subf %mul3A_296, %round3A_297 : vector<1024x128xf32>
    %convert_element_type3A_299 = arith.fptosi %round3A_297 : vector<1024x128xf32> to vector<1024x128xi32>
    %shift_left3A_300 = arith.constant 31 : i32
    %shift_left3A_301 = vector.broadcast %shift_left3A_300 : i32 to vector<1024x128xi32>
    %shift_left3A_302 = arith.shli %convert_element_type3A_299, %shift_left3A_301 : vector<1024x128xi32>
    %mul3A_303 = arith.mulf %sub3A_298, %sub3A_298 : vector<1024x128xf32>
    %mul3A_304 = arith.constant 0.0778884291 : f32
    %mul3A_305 = vector.broadcast %mul3A_304 : f32 to vector<1024x128xf32>
    %mul3A_306 = arith.mulf %mul3A_305, %mul3A_303 : vector<1024x128xf32>
    %add3A_307 = arith.constant -0.598395228 : f32
    %add3A_308 = vector.broadcast %add3A_307 : f32 to vector<1024x128xf32>
    %add3A_309 = arith.addf %mul3A_306, %add3A_308 : vector<1024x128xf32>
    %mul3A_310 = arith.constant 0.220490485 : f32
    %mul3A_311 = vector.broadcast %mul3A_310 : f32 to vector<1024x128xf32>
    %mul3A_312 = arith.mulf %mul3A_311, %mul3A_303 : vector<1024x128xf32>
    %add3A_313 = arith.constant -1.33223724 : f32
    %add3A_314 = vector.broadcast %add3A_313 : f32 to vector<1024x128xf32>
    %add3A_315 = arith.addf %mul3A_312, %add3A_314 : vector<1024x128xf32>
    %mul3A_316 = arith.mulf %add3A_309, %mul3A_303 : vector<1024x128xf32>
    %add3A_317 = arith.constant 2.55009198 : f32
    %add3A_318 = vector.broadcast %add3A_317 : f32 to vector<1024x128xf32>
    %add3A_319 = arith.addf %mul3A_316, %add3A_318 : vector<1024x128xf32>
    %mul3A_320 = arith.mulf %add3A_315, %mul3A_303 : vector<1024x128xf32>
    %add3A_321 = arith.constant 4.05846119 : f32
    %add3A_322 = vector.broadcast %add3A_321 : f32 to vector<1024x128xf32>
    %add3A_323 = arith.addf %mul3A_320, %add3A_322 : vector<1024x128xf32>
    %mul3A_324 = arith.mulf %add3A_319, %mul3A_303 : vector<1024x128xf32>
    %add3A_325 = arith.constant -5.16771078 : f32
    %add3A_326 = vector.broadcast %add3A_325 : f32 to vector<1024x128xf32>
    %add3A_327 = arith.addf %mul3A_324, %add3A_326 : vector<1024x128xf32>
    %mul3A_328 = arith.mulf %add3A_323, %mul3A_303 : vector<1024x128xf32>
    %add3A_329 = arith.constant -4.9347949 : f32
    %add3A_330 = vector.broadcast %add3A_329 : f32 to vector<1024x128xf32>
    %add3A_331 = arith.addf %mul3A_328, %add3A_330 : vector<1024x128xf32>
    %mul3A_332 = arith.mulf %add3A_327, %mul3A_303 : vector<1024x128xf32>
    %add3A_333 = arith.constant 3.14159274 : f32
    %add3A_334 = vector.broadcast %add3A_333 : f32 to vector<1024x128xf32>
    %add3A_335 = arith.addf %mul3A_332, %add3A_334 : vector<1024x128xf32>
    %mul3A_336 = arith.mulf %add3A_331, %mul3A_303 : vector<1024x128xf32>
    %add3A_337 = arith.constant 0.99999994 : f32
    %add3A_338 = vector.broadcast %add3A_337 : f32 to vector<1024x128xf32>
    %add3A_339 = arith.addf %mul3A_336, %add3A_338 : vector<1024x128xf32>
    %mul3A_340 = arith.mulf %add3A_335, %sub3A_298 : vector<1024x128xf32>
    %bitcast_convert_type3A_341 = tpu.bitcast %mul3A_340 : vector<1024x128xf32> -> vector<1024x128xi32>
    %xor3A_342 = arith.xori %bitcast_convert_type3A_341, %shift_left3A_302 : vector<1024x128xi32>
    %bitcast_convert_type3A_343 = tpu.bitcast %xor3A_342 : vector<1024x128xi32> -> vector<1024x128xf32>
    %bitcast_convert_type3A_344 = tpu.bitcast %add3A_339 : vector<1024x128xf32> -> vector<1024x128xi32>
    %xor3A_345 = arith.xori %bitcast_convert_type3A_344, %shift_left3A_302 : vector<1024x128xi32>
    %bitcast_convert_type3A_346 = tpu.bitcast %xor3A_345 : vector<1024x128xi32> -> vector<1024x128xf32>
    %swap3A_347 = arith.constant 0 : index
    %swap3A_348 = arith.constant 0 : index
    %swap3A_349 = arith.constant 0 : index
    %swap3A_350 = vector.load %arg9[%swap3A_347, %swap3A_348, %swap3A_349] : memref<1x1025x257xf32, #tpu.memory_space<vmem>>, vector<1x1024x128xf32>
    %swap3A_351 = vector.shape_cast %swap3A_350 : vector<1x1024x128xf32> to vector<1024x128xf32>
    %swap3A_352 = vector.shape_cast %bitcast_convert_type3A_343 : vector<1024x128xf32> to vector<1x1024x128xf32>
    tpu.vector_store %arg9[%swap3A_347, %swap3A_348, %swap3A_349], %swap3A_352 {strides = array<i32>} : memref<1x1025x257xf32, #tpu.memory_space<vmem>>, vector<1x1024x128xf32>,
    %swap3A_353 = arith.constant 0 : index
    %swap3A_354 = arith.constant 0 : index
    %swap3A_355 = arith.constant 128 : index
    %swap3A_356 = vector.load %arg9[%swap3A_353, %swap3A_354, %swap3A_355] : memref<1x1025x257xf32, #tpu.memory_space<vmem>>, vector<1x1024x128xf32>
    %swap3A_357 = vector.shape_cast %swap3A_356 : vector<1x1024x128xf32> to vector<1024x128xf32>
    %swap3A_358 = vector.shape_cast %bitcast_convert_type3A_346 : vector<1024x128xf32> to vector<1x1024x128xf32>
    tpu.vector_store %arg9[%swap3A_353, %swap3A_354, %swap3A_355], %swap3A_358 {strides = array<i32>} : memref<1x1025x257xf32, #tpu.memory_space<vmem>>, vector<1x1024x128xf32>,
    %swap3A_359 = arith.constant 0 : index
    %swap3A_360 = arith.constant 0 : index
    %swap3A_361 = arith.constant 256 : index
    %swap3A_362 = vector.load %arg9[%swap3A_359, %swap3A_360, %swap3A_361] : memref<1x1025x257xf32, #tpu.memory_space<vmem>>, vector<1x1024x1xf32>
    %swap3A_363 = vector.shape_cast %swap3A_362 : vector<1x1024x1xf32> to vector<1024x1xf32>
    %swap3A_364 = vector.shape_cast %slice3A_284 : vector<1024x1xf32> to vector<1x1024x1xf32>
    tpu.vector_store %arg9[%swap3A_359, %swap3A_360, %swap3A_361], %swap3A_364 {strides = array<i32>} : memref<1x1025x257xf32, #tpu.memory_space<vmem>>, vector<1x1024x1xf32>,
    %broadcast_in_dim3A_365 = arith.constant 0.000000e+00 : f32
    %broadcast_in_dim3A_366 = vector.broadcast %broadcast_in_dim3A_365 : f32 to vector<1x257xf32>
    %swap3A_367 = arith.constant 0 : index
    %swap3A_368 = arith.constant 1024 : index
    %swap3A_369 = arith.constant 0 : index
    %swap3A_370 = vector.load %arg9[%swap3A_367, %swap3A_368, %swap3A_369] : memref<1x1025x257xf32, #tpu.memory_space<vmem>>, vector<1x1x257xf32>
    %swap3A_371 = vector.shape_cast %swap3A_370 : vector<1x1x257xf32> to vector<1x257xf32>
    %swap3A_372 = vector.shape_cast %broadcast_in_dim3A_366 : vector<1x257xf32> to vector<1x1x257xf32>
    tpu.vector_store %arg9[%swap3A_367, %swap3A_368, %swap3A_369], %swap3A_372 {strides = array<i32>} : memref<1x1025x257xf32, #tpu.memory_space<vmem>>, vector<1x1x257xf32>,
    return
  }
  func.func @transform_0(%arg0: i32) -> (i32, i32, i32) {
    %add3A = arith.constant 0 : i32
    %add3A_0 = arith.addi %add3A, %arg0 : i32
    %c0_i32 = arith.constant 0 : i32
    %c0_i32_1 = arith.constant 0 : i32
    %c0_i32_2 = arith.constant 0 : i32
    return %add3A_0, %c0_i32, %c0_i32_1 : i32, i32, i32
  }
  func.func @transform_1(%arg0: i32) -> (i32, i32, i32) {
    %add3A = arith.constant 64 : i32
    %add3A_0 = arith.addi %add3A, %arg0 : i32
    %c0_i32 = arith.constant 0 : i32
    %c0_i32_1 = arith.constant 0 : i32
    %c0_i32_2 = arith.constant 0 : i32
    return %add3A_0, %c0_i32, %c0_i32_1 : i32, i32, i32
  }
  func.func @transform_2(%arg0: i32) -> (i32, i32, i32) {
    %add3A = arith.constant 128 : i32
    %add3A_0 = arith.addi %add3A, %arg0 : i32
    %c0_i32 = arith.constant 0 : i32
    %c0_i32_1 = arith.constant 0 : i32
    %c0_i32_2 = arith.constant 0 : i32
    return %add3A_0, %c0_i32, %c0_i32_1 : i32, i32, i32
  }
  func.func @transform_3(%arg0: i32) -> (i32, i32, i32) {
    %add3A = arith.constant 192 : i32
    %add3A_0 = arith.addi %add3A, %arg0 : i32
    %c0_i32 = arith.constant 0 : i32
    %c0_i32_1 = arith.constant 0 : i32
    %c0_i32_2 = arith.constant 0 : i32
    return %add3A_0, %c0_i32, %c0_i32_1 : i32, i32, i32
  }
  func.func @transform_4(%arg0: i32) -> (i32, i32) {
    %c0_i32 = arith.constant 0 : i32
    %c0_i32_0 = arith.constant 0 : i32
    %c0_i32_1 = arith.constant 0 : i32
    return %c0_i32, %c0_i32_0 : i32, i32
  }
  func.func @transform_5(%arg0: i32) -> (i32, i32, i32) {
    %c0_i32 = arith.constant 0 : i32
    %c0_i32_0 = arith.constant 0 : i32
    %c0_i32_1 = arith.constant 0 : i32
    return %arg0, %c0_i32, %c0_i32_0 : i32, i32, i32
  }
  func.func @transform_6(%arg0: i32) -> (i32, i32, i32) {
    %c0_i32 = arith.constant 0 : i32
    %c0_i32_0 = arith.constant 0 : i32
    %c0_i32_1 = arith.constant 0 : i32
    return %arg0, %c0_i32, %c0_i32_0 : i32, i32, i32
  }
  func.func @transform_7(%arg0: i32) -> (i32, i32, i32) {
    %c0_i32 = arith.constant 0 : i32
    %c0_i32_0 = arith.constant 0 : i32
    %c0_i32_1 = arith.constant 0 : i32
    return %arg0, %c0_i32, %c0_i32_0 : i32, i32, i32
  }
  func.func @transform_8(%arg0: i32) -> (i32, i32, i32) {
    %c0_i32 = arith.constant 0 : i32
    %c0_i32_0 = arith.constant 0 : i32
    %c0_i32_1 = arith.constant 0 : i32
    return %arg0, %c0_i32, %c0_i32_0 : i32, i32, i32
  }
}

</mosaic_0001>

<sc_bundles>
// kernel: sparse-core-data-format-call.cloned.1.call-start
scs
called_computation_lowered:
.L_overlay_start_0:
0x0: {  	s2 =	sld [smem:$0x3FD9]  }
0x1: {  	s3 =	sld [smem:$0x3FFE];
	_ =	sdelay $0x1  }
0x2: {  	s1 =	srdreg.scid  }
0x3: {  	s0 =	sand.u32 $0x1, s1  }
0x4: {  	s15 =	sshll.u32 s0, $0xA;
	s2 =	sadd.s32 s3, s2  }
0x5: {  	s2 =	sadd.s32 s2, s15  }
0x6: {  	[smem:$0x3FC6] =	sst s2  }
0x7: {  	_ = 	snop  }
0x8: {  	s2 =	sld [smem:$0x3FD0];
	_ =	sdelay $0x2  }
0x9: {  	s16 =	simm.s32 $0xA;
	s4 =	simm.s32 $0x10  }
0xa: {  	[smem:s4], [sflag:s16] =	dma.local [hbm:s2], $0x1  }
0xb: {  	_ =	swait.eq [sflag:s16], $0x1  }
0xc: {  	[sflag:s16] =	ssyncset.done $0x0  }
0xd: {  	[sflag:s16] =	ssyncadd.s32 $0xFFFFFFFF  }
0xe: {  	s17 =	sld [smem:$0x10];
	(tm) =	ssettm $0x1  }
0xf: {  	s18 =	sld [smem:$0x3FFB];
	_ =	sdelay $0x3  }
0x10: {  	_ =	strace s18  }
0x11: {  	s3 =	sld [smem:$0x3FFC];
	_ =	sdelay $0x3  }
0x12: {  	_ =	strace s3  }
0x13: {  	s3 =	sld [smem:$0x3FFD];
	_ =	sdelay $0x3  }
0x14: {  	_ =	strace s3  }
0x15: {  	_ =	strace $0x8FFFFFFF  }
0x16: {  	s19 =	sld [smem:$0x3FDB];
	_ =	sdelay $0x1  }
0x17: {  	s20 =	simm.s32 $_scs_section_size  }
0x18: {  	s5 =	simm.s32 $_size__tile_overlayer_lowered;
	s6 =	simm.s32 $_tile_overlayer_lowered  }
0x19: {  	s23 =	simm.s32 $0x1BFF;
	s22 =	sshll.u32 s6, $0x1;
	s3 =	sadd.s32 s20, s19  }
0x1a: {  	s7 =	simm.s32 $0x0;
	s21 =	sshll.u32 s5, $0x1;
	s5 =	sadd.s32 s22, s3  }
0x1b: {  	[timem:s7], [sflag:s23] =	dma.local [hbm:s5], s21  }
0x1c: {  	_ =	swait.ge [sflag:s23], s21  }
0x1d: {  	s4 =	ssub.s32 $0x0, s21;
	[sflag:s23] =	ssyncset.done $0x0  }
0x1e: {  	[sflag:s23] =	ssyncadd.s32 s4;
	_ =	sdelay $0x1  }
0x1f: {  	s24 =	simm.s32 $0x1B8B  }
0x20: {  	_ =	swait.ge [sflag:s24], $0x1  }
0x21: {  	[sflag:s24] =	ssyncset.done $0x0  }
0x22: {  	s26 =	simm.s32 $0x1B8E;
	s25 =	sld [smem:$0x3FFE];
	[sflag:s24] =	ssyncadd.s32 $0xFFFFFFFF  }
0x23: {  	s27 =	simm.s32 $execute0_lowered;
	[smem:$0x3FD2] =	sst s26  }
0x24: {  	s5 =	sshll.u32 s27, $0x1;
	_ =	strace $0x80000046;
	[dreg:$0x1] =	wrdreg $0xFFFFFFFF  }
0x25: {  	s28 =	simm.s32 $_size_execute0_lowered;
	s3 =	sadd.s32 s3, s5;
	[dreg:$0x0] =	wrdreg $0x0  }
0x26: {  	s5 =	sshll.u32 s28, $0x1;
	[dreg:$0x2] =	wrdreg s3  }
0x27: {  	[dreg:$0x3] =	wrdreg s5  }
0x28: {  	[dreg:$0x4] =	wrdreg $0xC0  }
0x29: {  	_ =	task [dreg:s7], $0x5FFFF  }
0x2a: {  	[dreg:$0x1] =	wrdreg $0xFFFFFFFF  }
0x2b: {  	[dreg:$0x0] =	wrdreg $0x60  }
0x2c: {  	[dreg:$0x2] =	wrdreg s25  }
0x2d: {  	[dreg:$0x3] =	wrdreg s17  }
0x2e: {  	[dreg:$0x4] =	wrdreg $0x9  }
0x2f: {  	_ =	task.clear_ibuf [dreg:s7], $0x5FFFF;
	_ =	strace $0x90000046  }
0x30: {  	s29 =	simm.s32 $0x9;
	_ =	strace $0x80000048  }
0x31: {  	_ =	swait.ge [sflag:s29], $0x1  }
0x32: {  	[sflag:s29] =	ssyncadd.s32 $0xFFFFFFFF  }
0x33: {  	_ =	strace $0x90000048  }
0x34: {  	_ =	sfence  }
0x35: {  	s30 =	sld [smem:$0x0];
	_ =	sdelay $0x2  }
0x36: {  	s31 =	sshll.u32 s1, $0xD;
	s1 =	sshrl.u32 s1, $0x2  }
0x37: {  	s3 =	sand.u32 $0x4000, s31;
	s1 =	sadd.s32 s1, s30  }
0x38: {  	s0 =	sor.u32 s3, s0;
	s1 =	sshll.u32 s1, $0x11  }
0x39: {  	s0 =	sor.u32 s1, s0  }
0x3a: {  	s0 =	sadd.s32 $0x8F2B, s0  }
0x3b: {  	[sflag:s0] =	ssyncadd.remote.s32 $0x1  }
0x3c: {  	_ =	sfence.sel $0xFFFF  }
0x3d: {  	[dreg:$0x0] =	wrdreg $0xFFFFFFFF;
	(pc) =	sbr.abs _section_cstart, $3  }
0x3e: {  	[dreg:$0x1] =	wrdreg $0xFFFFFFFF  }
0x3f: {  	_ =	task.clear_ibuf [dreg:s7], $0x2FFFF;
	_ =	strace $0x9FFFFFFF  }
0x40: {  	(tm) =	ssettm $0x7FFFFFFF  }
0x41: {  	_ =	shalt  }
tec
execute0_lowered:
.L_overlay_start_1:
0x0: {  	(tag) =	ssettag $0x1  }
0x1: {  	s0 =	stileid.u32  }
0x2: {  	s1 =	srdreg.scid;
	s7 =	rddreg [dreg:$0x0];
	s8 =	simm.s32 $0x2  }
0x3: {  	s17 =	simm.s32 $0x0;
	s1 =	sshll.u32 s1, $0x4;
	s2 =	sshll.u32 s0, $0x7  }
0x4: {  	p0 =	por $0x0, $0x0;
	s3 =	sand.u32 $0x10, s1;
	s1 =	sand.u32 $0x80, s2  }
0x5: {  	s9 =	simm.s32 $0x40800;
	s30 =	sor.u32 s0, s3;
	s4 =	ssub.s32 $0x100, s1  }
0x6: {  	s19 =	simm.s32 $0x0;
	s3 =	sshrl.u32 s30, $0x1;
	s31 =	sshrl.u32 s4, $0x7  }
0x7: {  	s4 =	sshrl.u32 s4, $0x8;
	s2 =	sand.u32 $0x1, s31;
	s5 =	ssub.s32 $0x410, s3  }
0x8: {  	s18 =	simm.s32 $0x0;
	s2 =	sadd.s32 s4, s2;
	s5 =	sshrl.u32 s5, $0x4  }
0x9: {  	s10 =	simm.s32 $0x0;
	s11 =	simm.s32 $0x0;
	s6 =	smul.u32 s5, s2  }
.Ltmp0:
0xa: {  	s12 =	simm.s32 $0x0;
	s4 =	rddreg [dreg:$0x1];
	(pc) =	sbr.rel .LBB1_1-.Ltmp0, $4  }
0xb: {  	s13 =	simm.s32 $0x0;
	s16 =	simm.s32 $0x0;
	s2 =	rddreg [dreg:$0x2]  }
0xc: {  	_ =	strace $0x80000047;
	s5 =	simm.s32 $0x1;
	s6 =	smul.u32 $0x3, s6  }
0xd: {  	s7 =	sadd.s32 $0xC18800, s7;
	s15 =	smov.u32 s1;
	[sflag:s5] =	ssyncpa.u1 $0x0  }
0xe: {  	s14 =	smov.u32 s3;
	[sflag:s8] =	ssyncpa.u1 $0x0;
	s8 =	sadd.s32 $0x1, s6  }
.LBB1_4:
0xf: {  	s25 =	sshll.u32 s11, $0x8;
	s26 =	sshll.u32 s12, $0x3;
	s27 =	sshll.u32 s11, $0x7  }
0x10: {  	s24 =	sshra.s32 s24, $0x2;
	p1 =	sgt.s32 s10, $0x81;
	p2 =	sgt.s32 s11, $0x407  }
0x11: {  	s28 =	smov.u32 s11;
	s29 =	sshra.s32 s11, $0x1F;
	s31 =	sshra.s32 s10, $0x1F  }
0x12: {  	s25 =	sand.u32 $0xFFFFF800, s25;
	s26 =	sand.u32 $0xFFFFFC00, s26;
	s30 =	sand.u32 $0x300, s27  }
0x13: {  	s23 =	sadd.s32 s24, s23;
	s28 =	simm.s32 @!p2 $0x407;
	s29 =	sand.u32 s29, s11  }
0x14: {  	s31 =	sand.u32 s31, s10;
	s25 =	sadd.s32 s26, s25;
	s26 =	smov.u32 s10  }
0x15: {  	s28 =	ssub.s32 s28, s29;
	s29 =	smov.u32 s12;
	s25 =	sor.u32 s30, s25  }
0x16: {  	s26 =	simm.s32 @!p1 $0x81;
	p1 =	sgt.s32 s12, $0x80;
	s30 =	sshra.s32 s12, $0x1F  }
0x17: {  	v5 =	vld [tilespmem:s21+$0xFFFFFFD0];
	[tilespmem:s22+$0x2040 ss:$0x81] =	vst.msk $0xffff, v4;
	s27 =	sand.u32 $0x80, s27;
	s29 =	simm.s32 @!p1 $0x80;
	s30 =	sand.u32 s30, s12  }
0x18: {  	v58 =	vld [tilespmem:s21+$0xFFFFFFE0];
	[tilespmem:s22+$0x2850 ss:$0x81] =	vst.msk $0xffff, v3;
	s25 =	sshrl.u32 s25, $0x8;
	s29 =	ssub.s32 s29, s30;
	s30 =	sadd.s32 $0xFFFFFBF9, s28  }
0x19: {  	v59 =	vld [tilespmem:s21+$0xFFFFFFF0];
	[tilespmem:s22+$0x3060 ss:$0x81] =	vst.msk $0xffff, v2;
	s26 =	ssub.s32 s26, s31;
	s24 =	smulhi.u32 $0xFE03F9, s25;
	p1 =	sgt.s32 s30, $0x0  }
0x1a: {  	[tilespmem:s22+$0x0 ss:$0x81] =	vst.msk $0xffff, v1;
	v60 =	vld [tilespmem:s21+$0x0];
	s31 =	sadd.s32 $0xFFFFFF80, s29;
	s29 =	ssub.s32 $0x100, s29;
	s30 =	sand.u32 $0x78, s12  }
0x1b: {  	v61 =	vld [tilespmem:s21+$0x10];
	[tilespmem:s23+$0x3870 ss:$0x81] =	vst.msk $0xffff, v0;
	s22 =	sshrl.u32 s24, $0x2;
	s24 =	ssub.s32 $0x408, s28;
	p2 =	sgt.s32 s31, $0x7F  }
0x1c: {  	v62 =	vld [tilespmem:s21+$0x20];
	[tilespmem:s23+$0x810 ss:$0x81] =	vst.msk $0xffff, v5;
	s31 =	sadd.s32 $0xFFFFFF7F, s26;
	s24 =	simm.s32 @p1 $0x0;
	s22 =	smul.u32 $0x408, s22  }
0x1d: {  	v63 =	vld [tilespmem:s21+$0xFFFFFFC0];
	[tilespmem:s23+$0x1020 ss:$0x81] =	vst.msk $0xffff, v58;
	p1 =	sgt.s32 s31, $0x7F;
	s29 =	simm.s32 @p2 $0x0;
	s31 =	smul.u32 $0x8100, s10  }
0x1e: {  	[tilespmem:s23+$0x1830 ss:$0x81] =	vst.msk $0xffff, v59;
	s26 =	ssub.s32 $0x101, s26;
	s21 =	sor.u32 s30, s27;
	s24 =	smul.u32 s29, s24  }
0x1f: {  	[tilespmem:s23+$0x2040 ss:$0x81] =	vst.msk $0xffff, v60;
	s28 =	sand.u32 $0x7, s12;
	s21 =	sshrl.u32 s21, $0x3;
	s26 =	simm.s32 @p1 $0x0  }
0x20: {  	[tilespmem:s23+$0x2850 ss:$0x81] =	vst.msk $0xffff, v61;
	s22 =	ssub.s32 s25, s22;
	s27 =	sadd.s32 s4, s31;
	s24 =	smul.u32 s26, s24  }
0x21: {  	[tilespmem:s23+$0x3060 ss:$0x81] =	vst.msk $0xffff, v62;
	s29 =	sshll.u32 s28, $0x12;
	s22 =	sshll.u32 s22, $0x5;
	s21 =	sadd.s32 s21, s27  }
0x22: {  	[tilespmem:s23+$0x0 ss:$0x81] =	vst.msk $0xffff, v63;
	s31 =	sor.u32 $0x80, s29;
	s21 =	sadd.s32 s22, s21;
	s30 =	sand.u32 $0x3FFFFFFF, s24  }
0x23: {  	[hbm4b:s21+s31] =	stream.strided.scatter [tilespmem:s20], [sflag:$0x2], s30, s9, s31, $0x20;
	[tilespmem:$0x10100] =	vst v63  }
.LBB1_5:
0x24: {  	p1 =	slt.u32 s16, $0x2;
	s21 =	smov.u32 s19  }
0x25: {  	p2 =	sgt.s32 @!p1 s17, $0x81;
	s20 =	sshra.s32 @!p1 s17, $0x1F;
	p3 =	sgt.s32 @!p1 s19, $0x407  }
0x26: {  	s22 =	sshra.s32 @!p1 s19, $0x1F;
	p2 =	por !p2, p1;
	s20 =	sand.u32 @!p1 s20, s17  }
0x27: {  	p3 =	por !p3, p1;
	s19 =	sand.u32 @!p1 s22, s19;
	s22 =	sshra.s32 @!p1 s18, $0x1F  }
0x28: {  	s21 =	simm.s32 @p3 $0x407;
	p3 =	sgt.s32 @!p1 s18, $0x80;
	s17 =	simm.s32 @p2 $0x81  }
0x29: {  	s19 =	ssub.s32 @!p1 s21, s19;
	p3 =	por !p3, p1;
	s21 =	smov.u32 s18  }
0x2a: {  	s18 =	sand.u32 @!p1 s22, s18;
	s17 =	ssub.s32 @!p1 s17, s20;
	s21 =	simm.s32 @p3 $0x80  }
0x2b: {  	s20 =	sadd.s32 @!p1 $0xFFFFFBF9, s19;
	s19 =	ssub.s32 @!p1 $0x408, s19;
	s18 =	ssub.s32 @!p1 s21, s18  }
0x2c: {  	s21 =	sadd.s32 @!p1 $0xFFFFFF7F, s17;
	p2 =	sgt.s32 @!p1 s20, $0x0;
	s20 =	sadd.s32 @!p1 $0xFFFFFF80, s18  }
0x2d: {  	s17 =	ssub.s32 @!p1 $0x101, s17;
	p2 =	por !p2, p1;
	p3 =	sgt.s32 @!p1 s20, $0x7F  }
0x2e: {  	s18 =	ssub.s32 @!p1 $0x100, s18;
	s19 =	simm.s32 @!p2 $0x0;
	p2 =	por !p3, p1  }
0x2f: {  	s20 =	sadd.s32 $0x80, s13;
	p3 =	sgt.s32 @!p1 s21, $0x7F;
	s18 =	simm.s32 @!p2 $0x0  }
0x30: {  	s21 =	smov.u32 s14;
	p2 =	por !p3, p1;
	s18 =	smul.u32 @!p1 s18, s19  }
0x31: {  	s17 =	simm.s32 @!p2 $0x0;
	p2 =	sgt.s32 s20, $0x100;
	s19 =	sadd.s32 $0x10, s14  }
0x32: {  	s22 =	smov.u32 s15;
	s21 =	smov.u32 @p2 s19  }
0x33: {  	s17 =	smul.u32 @!p1 s17, s18;
	p3 =	sgt.s32 s21, $0x400;
	s18 =	sadd.s32 $0x100, s15  }
0x34: {  	p0 =	por !p0, !p0;
	s23 =	simm.s32 @!p1 $0x2;
	s22 =	smov.u32 @p3 s18  }
0x35: {  	s20 =	simm.s32 @p2 $0x0;
	s19 =	smov.u32 s11;
	p2 =	sgt.s32 s22, $0xFF  }
0x36: {  	s11 =	smov.u32 s14;
	s22 =	smov.u32 @p2 s1;
	p2 =	sne.s32 s16, s8  }
.Ltmp1:
0x37: {  	s21 =	smov.u32 @p3 s3;
	s18 =	smov.u32 s12;
	(pc) =	sbr.rel @!p2 .LBB1_6-.Ltmp1, $4  }
0x38: {  	s12 =	smov.u32 s15;
	s17 =	sand.u32 @!p1 $0x3FFFFFFF, s17;
	s14 =	smov.u32 s21  }
0x39: {  	_ =	swait.ge @!p1 [sflag:s23], s17;
	s24 =	ssub.s32 @!p1 $0x0, s17;
	s17 =	smov.u32 s10  }
0x3a: {  	s16 =	sadd.s32 $0x1, s16;
	s10 =	smov.u32 s13;
	[sflag:s23] =	ssyncset.done @!p1 $0x0  }
0x3b: {  	s13 =	smov.u32 s20;
	s15 =	smov.u32 s22;
	[sflag:s23] =	ssyncadd.s32 @!p1 s24  }
.LBB1_1:
0x3c: {  	p1 =	sge.u32 s16, s6  }
0x3d: {  	s20 =	sshrl.u32 @!p1 s14, $0x3  }
0x3e: {  	s21 =	sshll.u32 @!p1 s13, $0x3;
	s20 =	smul.u32 @!p1 $0xC00, s20  }
0x3f: {  	s22 =	sshll.u32 @!p1 s14, $0x7;
	s21 =	sand.u32 @!p1 $0xFFFFFC00, s21  }
0x40: {  	s20 =	sadd.s32 @!p1 s20, s21;
	s21 =	sand.u32 @!p1 $0x380, s22  }
0x41: {  	s20 =	sor.u32 @!p1 s21, s20  }
0x42: {  	s21 =	smulhi.u32 @!p1 $0xAAAAAAAB, s20;
	_ =	sdelay $0x1  }
0x43: {  	s22 =	sand.u32 @!p1 $0x7F, s13;
	s21 =	sshrl.u32 @!p1 s21, $0x8  }
0x44: {  	s20 =	sor.u32 @!p1 s22, s20;
	s22 =	smulhi.u32 @!p1 $0xFE03F9, s21  }
0x45: {  	s23 =	smulhi.u32 @!p1 $0xAAAAAAAB, s20  }
0x46: {  	s22 =	sshrl.u32 @!p1 s22, $0x2  }
0x47: {  	s23 =	sshrl.u32 @!p1 s23, $0x8;
	s22 =	smul.u32 @!p1 $0x408, s22  }
0x48: {  	s31 =	sadd.s32 $0xFFFFFFFF, s16;
	s23 =	smul.u32 @!p1 $0x180, s23  }
0x49: {  	s24 =	sxor.u32 @!p1 $0xFFFFFFFF, s16;
	s21 =	ssub.s32 @!p1 s21, s22;
	s22 =	smul.u32 @!p1 $0xC180, s15  }
0x4a: {  	s24 =	sshll.u32 @!p1 s24, $0xE;
	s20 =	ssub.s32 @!p1 s20, s23;
	s21 =	smul.u32 @!p1 $0x30, s21  }
0x4b: {  	s23 =	sand.u32 @!p1 $0x4000, s24;
	s24 =	sand.u32 @!p1 $0x7, s20;
	s22 =	sadd.s32 @!p1 s7, s22  }
0x4c: {  	s20 =	sshrl.u32 @!p1 s20, $0x3;
	s21 =	sadd.s32 @!p1 s21, s22;
	s22 =	sshll.u32 @!p1 s24, $0x12  }
0x4d: {  	s20 =	sadd.s32 @!p1 s20, s21;
	s21 =	sor.u32 @!p1 $0x80, s22;
	s22 =	simm.s32 @!p1 $0x60C00  }
0x4e: {  	[tilespmem:s23], [sflag:$0x1] =	stream.strided.gather @!p1 [hbm4b:s20+s21], $0x4000, s22, s21, $0x38;
	[tilespmem:$0x10100] =	vst v63  }
0x4f: {  	p1 =	sge.u32 s31, s6  }
.Ltmp2:
0x50: {  	_ = 	snop;
	(pc) =	sbr.rel @p1 .LBB1_5-.Ltmp2, $1  }
0x51: {  	_ =	sdelay $0x3  }
0x52: {  	s20 =	simm.s32 $0x1  }
0x53: {  	_ =	swait.ge [sflag:s5], $0x4000;
	s20 =	simm.s32 @!p0 $0x0  }
0x54: {  	[sflag:s5] =	ssyncset.done $0x0;
	s21 =	sshll.u32 s20, $0xE  }
0x55: {  	[sflag:s5] =	ssyncadd.s32 $0xFFFFC000;
	s21 =	sor.u32 $0x40, s21  }
0x56: {  	s20 =	smul.u32 $0x10200, s20;
	v0 =	vld [tilespmem:s21+$0x30]  }
0x57: {  	v1 =	vld [tilespmem:s21+$0xFFFFFFD0]  }
0x58: {  	s20 =	sshrl.u32 s20, $0x2;
	v5 =	vld [tilespmem:s21+$0xFFFFFFE0]  }
0x59: {  	v6 =	vld [tilespmem:s21+$0xFFFFFFF0];
	s23 =	sor.u32 $0x8000, s20  }
0x5a: {  	s31 =	sand.u32 $0x1, s16;
	v4 =	vld [tilespmem:s21+$0x0];
	s22 =	sadd.s32 $0x0, s23  }
0x5b: {  	v3 =	vld [tilespmem:s21+$0x10];
	s20 =	smul.u32 $0x10200, s31;
	[tilespmem:s22+$0x3870 ss:$0x81] =	vst.msk $0xffff, v0  }
0x5c: {  	v2 =	vld [tilespmem:s21+$0x20];
	[tilespmem:s22+$0x810 ss:$0x81] =	vst.msk $0xffff, v1  }
0x5d: {  	s20 =	sshrl.u32 s20, $0x2;
	v1 =	vld [tilespmem:s21+$0xFFFFFFC0];
	[tilespmem:s22+$0x1020 ss:$0x81] =	vst.msk $0xffff, v5;
	s21 =	sadd.s32 $0x80, s21  }
0x5e: {  	s24 =	simm.s32 $0x4;
	s25 =	simm.s32 $0x8;
	s20 =	sor.u32 $0x8000, s20;
	[tilespmem:s22+$0x1830 ss:$0x81] =	vst.msk $0xffff, v6;
	v0 =	vld [tilespmem:s21+$0x30]  }
.LBB1_3:
0x5f: {  	p1 =	sne.s32 s25, $0x1FC;
	v5 =	vld [tilespmem:s21+$0xFFFFFFD0];
	[tilespmem:s22+$0x2040 ss:$0x81] =	vst.msk $0xffff, v4  }
0x60: {  	v6 =	vld [tilespmem:s21+$0xFFFFFFE0];
	[tilespmem:s22+$0x2850 ss:$0x81] =	vst.msk $0xffff, v3  }
0x61: {  	s26 =	sshra.s32 s24, $0x2;
	s24 =	smov.u32 s25;
	v7 =	vld [tilespmem:s21+$0xFFFFFFF0];
	[tilespmem:s22+$0x3060 ss:$0x81] =	vst.msk $0xffff, v2  }
.Ltmp3:
0x62: {  	v4 =	vld [tilespmem:s21+$0x0];
	[tilespmem:s22+$0x0 ss:$0x81] =	vst.msk $0xffff, v1;
	s22 =	sadd.s32 s26, s23;
	(pc) =	sbr.rel @p1 .LBB1_3-.Ltmp3, $4  }
0x63: {  	v3 =	vld [tilespmem:s21+$0x10];
	[tilespmem:s22+$0x3870 ss:$0x81] =	vst.msk $0xffff, v0  }
0x64: {  	[tilespmem:s22+$0x810 ss:$0x81] =	vst.msk $0xffff, v5;
	v2 =	vld [tilespmem:s21+$0x20]  }
0x65: {  	v1 =	vld [tilespmem:s21+$0xFFFFFFC0];
	[tilespmem:s22+$0x1020 ss:$0x81] =	vst.msk $0xffff, v6;
	s21 =	sadd.s32 $0x80, s21  }
0x66: {  	s25 =	sadd.s32 $0x4, s25;
	v0 =	vld [tilespmem:s21+$0x30];
	[tilespmem:s22+$0x1830 ss:$0x81] =	vst.msk $0xffff, v7  }
.Ltmp4:
0x67: {  	_ = 	snop;
	(pc) =	sbr.rel .LBB1_4-.Ltmp4, $1  }
0x68: {  	_ =	sdelay $0x3  }
.LBB1_6:
0x69: {  	_ =	sfence.sel $0x180000  }
0x6a: {  	s1 =	simm.s32 $0x1;
	[bflag:$0x0] =	sbarrier.arrive $0xFFFF  }
0x6b: {  	s31 =	simm.s32 $0x2;
	[sflag:s1] =	ssyncpa.u1 $0x1  }
0x6c: {  	[sflag:s31] =	ssyncpa.u1 $0x1  }
0x6d: {  	p0 =	sne.s32 s0, $0x0;
	_ =	strace $0x90000047  }
0x6e: {  	s0 =	sadd.s32 @!p0 $0x100000, s2;
	[bflag:$0x2] =	sbarrier.arrive $0xFFFF  }
0x6f: {  	[sflag:s0] =	ssyncadd.tile.s32 @!p0 $0x1;
	_ =	shalt  }
.Lfunc_end1:
_tile_overlayer_lowered:
.L_overlay_start_2:
0x70: {  	(tag) =	ssettag $0x2  }
0x71: {  	s0 =	rddreg [dreg:$0x0];
	s2 =	stileid.u32  }
0x72: {  	s1 =	rddreg [dreg:$0x1];
	p0 =	sne.s32 s2, $0x0  }
0x73: {  	s3 =	rddreg [dreg:$0x2];
	[bflag:$0x3] =	sbarrier.arrive $0xFFFF;
	s2 =	simm.s32 @!p0 $0x1C01  }
0x74: {  	[timem:s3], [sflag:s2] =	dma.local @!p0 [hbm:s0], s1  }
0x75: {  	s0 =	simm.s32 @!p0 $0x1  }
0x76: {  	_ =	swait.ge @!p0 [sflag:s0], s1  }
0x77: {  	s1 =	ssub.s32 @!p0 $0x0, s1;
	[sflag:s0] =	ssyncset.done @!p0 $0x0  }
0x78: {  	[sflag:s0] =	ssyncadd.s32 @!p0 s1  }
0x79: {  	[bflag:$0x3] =	sbarrier.arrive $0xFFFF  }
0x7a: {  	_ =	shalt  }

</sc_bundles>
